<compile_context>
chip_gen: v7x
topology: tpu7x:2x2x1
jax: 0.10.2.dev20260603
libtpu: 0.0.44.dev20260713+nightly
codegen_flags: <defaults>
</compile_context>

<pallas_src>
import functools

import jax
import jax.numpy as jnp
from jax.experimental import pallas as pl
from jax.experimental.pallas import tpu as pltpu

_K = 32
_S = 1024
_EPS = 1e-5


def _fps_kernel(data_ref, idx_ref, cen_ref, dist_ref):
    B, N = dist_ref.shape
    S = idx_ref.shape[1]
    X = data_ref[0]
    Y = data_ref[1]
    Z = data_ref[2]
    iota_n = jax.lax.broadcasted_iota(jnp.int32, (B, N), 1)
    iota_s = jax.lax.broadcasted_iota(jnp.int32, (B, S), 1)
    dist_ref[...] = jnp.full((B, N), 1e10, jnp.float32)
    idx_ref[...] = jnp.zeros((B, S), jnp.int32)
    cen_ref[...] = jnp.zeros((3, B, S), jnp.float32)

    def body(i, far):
        onehot = iota_n == far
        cx = jnp.max(jnp.where(onehot, X, -jnp.inf), axis=1, keepdims=True)
        cy = jnp.max(jnp.where(onehot, Y, -jnp.inf), axis=1, keepdims=True)
        cz = jnp.max(jnp.where(onehot, Z, -jnp.inf), axis=1, keepdims=True)
        sel = iota_s == i
        idx_ref[...] = jnp.where(sel, far, idx_ref[...])
        cen_ref[0] = jnp.where(sel, cx, cen_ref[0])
        cen_ref[1] = jnp.where(sel, cy, cen_ref[1])
        cen_ref[2] = jnp.where(sel, cz, cen_ref[2])
        dx = X - cx
        dy = Y - cy
        dz = Z - cz
        d = dx * dx + dy * dy + dz * dz
        dist = jnp.minimum(dist_ref[...], d)
        dist_ref[...] = dist
        maxv = jnp.max(dist, axis=1, keepdims=True)
        far_next = jnp.min(jnp.where(dist == maxv, iota_n, N), axis=1,
                           keepdims=True)
        return far_next

    jax.lax.fori_loop(0, S, body, jnp.zeros((B, 1), jnp.int32))


def _fps_pallas(data):
    B, N, C = data.shape
    data_t = jnp.transpose(data, (2, 0, 1))
    idx, cen = pl.pallas_call(
        _fps_kernel,
        out_shape=[
            jax.ShapeDtypeStruct((B, _S), jnp.int32),
            jax.ShapeDtypeStruct((3, B, _S), jnp.float32),
        ],
        scratch_shapes=[pltpu.VMEM((B, N), jnp.float32)],
    )(data_t)
    return idx, jnp.transpose(cen, (1, 2, 0))


def _dist_kernel(cen_ref, data_ref, d32_ref):
    c = cen_ref[0]
    d3 = data_ref[0]
    cb = c.astype(jnp.bfloat16)
    db = d3.astype(jnp.bfloat16)
    p = jax.lax.dot_general(cb, db, (((1,), (0,)), ((), ())),
                            preferred_element_type=jnp.float32)
    an2 = jnp.sum(c * c, axis=1, keepdims=True)
    bn2 = jnp.sum(d3 * d3, axis=0, keepdims=True)
    d32_ref[0] = (-2.0 * p + an2) + bn2


def _dist_pallas(cen, data_bn):
    B, S, _ = cen.shape
    N = data_bn.shape[2]
    TS = 256
    return pl.pallas_call(
        _dist_kernel,
        grid=(B, S // TS),
        in_specs=[
            pl.BlockSpec((1, TS, 3), lambda b, t: (b, t, 0)),
            pl.BlockSpec((1, 3, N), lambda b, t: (b, 0, 0)),
        ],
        out_specs=pl.BlockSpec((1, TS, N), lambda b, t: (b, t, 0)),
        out_shape=jax.ShapeDtypeStruct((B, S, N), jnp.float32),
    )(cen, data_bn)


def _index_pts(data, idx):
    if idx.ndim == 2:
        return jnp.take_along_axis(data, idx[:, :, None], axis=1)
    B, S, K = idx.shape
    flat = idx.reshape(B, S * K)
    out = jnp.take_along_axis(data, flat[:, :, None], axis=1)
    return out.reshape(B, S, K, data.shape[-1])


def _top64(dist):
    B, S, N = dist.shape
    C = N // 128
    d4 = dist.reshape(B, S, C, 128)
    v1, i1 = jax.lax.top_k(d4, 64)
    base = (jnp.arange(C, dtype=jnp.int32) * 128)[None, None, :, None]
    g1 = (i1 + base).reshape(B, S, C * 64)
    v2, i2 = jax.lax.top_k(v1.reshape(B, S, C * 64), 64)
    idx = jnp.take_along_axis(g1, i2, axis=-1)
    return idx


def kernel(data, data_feature, Ws, bs, gammas, betas):
    B, N, C = data.shape
    fps_idx, centroids = _fps_pallas(data)
    data_bn = jnp.transpose(data, (0, 2, 1))
    dist = _dist_pallas(centroids, data_bn)
    _, idx2k = jax.lax.top_k(dist, 2 * _K)
    sample = _index_pts(data, idx2k)
    diff = sample - jnp.roll(sample, 1, axis=2)
    score = jnp.abs(diff)[:, :, :, 2]
    _, topk_idx = jax.lax.top_k(score, _K)
    sample = jnp.take_along_axis(sample, topk_idx[..., None], axis=2)
    sample_norm = sample - centroids[:, :, None, :]
    tmp = _index_pts(data_feature, topk_idx)
    ans = jnp.concatenate([sample_norm, tmp], axis=-1)
    z = jnp.abs(sample[..., -1] - centroids[:, :, None, -1])
    z = jax.nn.softmax(z, axis=-1)
    ans = ans * z[..., None]
    x = jnp.transpose(ans, (0, 3, 2, 1))
    for W, b, g, be in zip(Ws, bs, gammas, betas):
        x = jnp.einsum('oc,bcks->boks', W, x) + b[None, :, None, None]
        mean = jnp.mean(x, axis=(0, 2, 3), keepdims=True)
        var = jnp.var(x, axis=(0, 2, 3), keepdims=True)
        x = (x - mean) / jnp.sqrt(var + _EPS) * g[None, :, None, None] + be[None, :, None, None]
        x = jax.nn.relu(x)
    x = jnp.max(x, axis=2)
    return centroids, jnp.transpose(x, (0, 2, 1))

# --- scband reference (transcript-rebuilt; emitter-appended) ---
"""Pipeline reference for scband-point-net-set-abstraction-58892591563298 (READ-ONLY COPY).

The authoritative reference and input builder live on the scoring server;
editing this copy changes nothing except your own understanding.
"""

import jax, jax.numpy as jnp
import numpy as np

K_NEIGH = 32
CLUSTER = 1024
EPS = 1e-5


def fps(data, npoint):
    B, N, C = data.shape

    def body(i, state):
        centroids, dist, farthest = state
        centroids = centroids.at[:, i].set(farthest)
        centroid = jnp.take_along_axis(data, farthest[:, None, None], axis=1)
        d = jnp.sum((data - centroid) ** 2, -1)
        dist = jnp.minimum(dist, d)
        farthest = jnp.argmax(dist, axis=-1).astype(jnp.int32)
        return (centroids, dist, farthest)

    init = (jnp.zeros((B, npoint), dtype=jnp.int32),
            jnp.full((B, N), 1e10, dtype=jnp.float32),
            jnp.zeros((B,), dtype=jnp.int32))
    centroids, _, _ = jax.lax.fori_loop(0, npoint, body, init)
    return centroids


def index_pts(data, idx):
    # data: [B, N, C]; idx: [B, S] or [B, S, K]
    if idx.ndim == 2:
        return jnp.take_along_axis(data, idx[:, :, None], axis=1)
    B, S, K = idx.shape
    flat = idx.reshape(B, S * K)
    out = jnp.take_along_axis(data, flat[:, :, None], axis=1)
    return out.reshape(B, S, K, data.shape[-1])


def square_dist(a, b):
    B, N, _ = a.shape
    _, M, _ = b.shape
    ans = -2.0 * jnp.matmul(a, jnp.transpose(b, (0, 2, 1)))
    ans = ans + jnp.sum(a ** 2, -1).reshape(B, N, 1)
    ans = ans + jnp.sum(b ** 2, -1).reshape(B, 1, M)
    return ans


def setup_inputs(seed: int = 0):
    key = jax.random.key(seed)
    ks = jax.random.split(key, 16)
    B, N, C, D = 8, 8192, 3, 64
    data = jax.random.normal(ks[0], (B, N, C), dtype=jnp.float32)
    data_feature = jax.random.normal(ks[1], (B, N, D), dtype=jnp.float32)
    mlp = [64, 64, 128]
    last = C + D
    Ws, bs, gammas, betas = [], [], [], []
    for i, out in enumerate(mlp):
        Ws.append(jax.random.normal(ks[2 + i], (out, last), dtype=jnp.float32) * (1.0 / np.sqrt(last)))
        bs.append(jnp.zeros((out,), jnp.float32))
        gammas.append(jnp.ones((out,), jnp.float32))
        betas.append(jnp.zeros((out,), jnp.float32))
        last = out
    return {"data": data, "data_feature": data_feature, "Ws": Ws, "bs": bs, "gammas": gammas, "betas": betas}


def reference(data, data_feature, Ws, bs, gammas, betas):
    B, N, C = data.shape
    # furthest point sampling (deterministic start at index 0; indices are non-differentiable)
    fps_idx = fps(jax.lax.stop_gradient(data), CLUSTER)
    centroids = index_pts(data, fps_idx)  # [B, S, C]
    # NOTE: original torch code takes topk of distances with largest=True (farthest 2k points)
    dist = square_dist(centroids, data)  # [B, S, N]
    _, idx2k = jax.lax.top_k(dist, 2 * K_NEIGH)
    sample = index_pts(data, idx2k)  # [B, S, 2k, C]
    diff = sample - jnp.roll(sample, 1, axis=2)
    score = jnp.abs(diff)[:, :, :, 2]  # [B, S, 2k]
    _, topk_idx = jax.lax.top_k(score, K_NEIGH)  # [B, S, k]
    sample = jnp.take_along_axis(sample, topk_idx[..., None], axis=2)  # [B, S, k, C]
    sample_norm = sample - centroids[:, :, None, :]
    # faithful to original: data_feature indexed with local (0..2k) indices
    tmp = index_pts(data_feature, topk_idx)  # [B, S, k, D]
    ans = jnp.concatenate([sample_norm, tmp], axis=-1)  # [B, S, k, C+D]
    z = jnp.abs(sample[..., -1] - centroids[:, :, None, -1])
    z = jax.nn.softmax(z, axis=-1)
    ans = ans * z[..., None]
    x = jnp.transpose(ans, (0, 3, 2, 1))  # [B, Cin, k, S]
    for W, b, g, be in zip(Ws, bs, gammas, betas):
        x = jnp.einsum('oc,bcks->boks', W, x) + b[None, :, None, None]
        mean = jnp.mean(x, axis=(0, 2, 3), keepdims=True)
        var = jnp.var(x, axis=(0, 2, 3), keepdims=True)
        x = (x - mean) / jnp.sqrt(var + EPS) * g[None, :, None, None] + be[None, :, None, None]
        x = jax.nn.relu(x)
    x = jnp.max(x, axis=2)  # [B, Cout, S]
    return centroids, jnp.transpose(x, (0, 2, 1))

if __name__ == "__main__":
    import jax
    _d = setup_inputs()
    print(jax.jit(kernel)(*tuple(_d.values())))

</pallas_src>

<mosaic_0001>
module attributes {stable_mosaic.version = 14 : i64} {
  func.func @_fps_kernel(%arg0: memref<3x8x8192xf32, #tpu.memory_space<vmem>>, %arg1: memref<8x1024xi32, #tpu.memory_space<vmem>>, %arg2: memref<3x8x1024xf32, #tpu.memory_space<vmem>>, %arg3: memref<8x8192xf32, #tpu.memory_space<vmem>>) attributes {dimension_semantics = [], scalar_prefetch = 0 : i64, scratch_operands = 1 : i64, tpu.core_type = #tpu.core_type<tc>} {
    %get3A = arith.constant 0 : index
    %get3A_0 = arith.constant 0 : index
    %get3A_1 = arith.constant 0 : index
    %get3A_2 = vector.load %arg0[%get3A, %get3A_0, %get3A_1] : memref<3x8x8192xf32, #tpu.memory_space<vmem>>, vector<1x8x8192xf32>
    %get3A_3 = vector.shape_cast %get3A_2 : vector<1x8x8192xf32> to vector<8x8192xf32>
    %get3A_4 = arith.constant 1 : index
    %get3A_5 = arith.constant 0 : index
    %get3A_6 = arith.constant 0 : index
    %get3A_7 = vector.load %arg0[%get3A_4, %get3A_5, %get3A_6] : memref<3x8x8192xf32, #tpu.memory_space<vmem>>, vector<1x8x8192xf32>
    %get3A_8 = vector.shape_cast %get3A_7 : vector<1x8x8192xf32> to vector<8x8192xf32>
    %get3A_9 = arith.constant 2 : index
    %get3A_10 = arith.constant 0 : index
    %get3A_11 = arith.constant 0 : index
    %get3A_12 = vector.load %arg0[%get3A_9, %get3A_10, %get3A_11] : memref<3x8x8192xf32, #tpu.memory_space<vmem>>, vector<1x8x8192xf32>
    %get3A_13 = vector.shape_cast %get3A_12 : vector<1x8x8192xf32> to vector<8x8192xf32>
    %iota3A = tpu.iota {dimensions = array<i32: 1>} : vector<8x8192xi32>
    %iota3A_14 = tpu.iota {dimensions = array<i32: 1>} : vector<8x1024xi32>
    %broadcast_in_dim3A = arith.constant 1.000000e+10 : f32
    %broadcast_in_dim3A_15 = vector.broadcast %broadcast_in_dim3A : f32 to vector<8x8192xf32>
    %swap3A = arith.constant 0 : index
    %swap3A_16 = arith.constant 0 : index
    %swap3A_17 = vector.load %arg3[%swap3A, %swap3A_16] : memref<8x8192xf32, #tpu.memory_space<vmem>>, vector<8x8192xf32>
    tpu.vector_store %arg3[%swap3A, %swap3A_16], %broadcast_in_dim3A_15 {strides = array<i32>} : memref<8x8192xf32, #tpu.memory_space<vmem>>, vector<8x8192xf32>,
    %broadcast_in_dim3A_18 = arith.constant 0 : i32
    %broadcast_in_dim3A_19 = vector.broadcast %broadcast_in_dim3A_18 : i32 to vector<8x1024xi32>
    %swap3A_20 = arith.constant 0 : index
    %swap3A_21 = arith.constant 0 : index
    %swap3A_22 = vector.load %arg1[%swap3A_20, %swap3A_21] : memref<8x1024xi32, #tpu.memory_space<vmem>>, vector<8x1024xi32>
    tpu.vector_store %arg1[%swap3A_20, %swap3A_21], %broadcast_in_dim3A_19 {strides = array<i32>} : memref<8x1024xi32, #tpu.memory_space<vmem>>, vector<8x1024xi32>,
    %broadcast_in_dim3A_23 = arith.constant 0.000000e+00 : f32
    %broadcast_in_dim3A_24 = vector.broadcast %broadcast_in_dim3A_23 : f32 to vector<3x8x1024xf32>
    %swap3A_25 = arith.constant 0 : index
    %swap3A_26 = arith.constant 0 : index
    %swap3A_27 = arith.constant 0 : index
    %swap3A_28 = vector.load %arg2[%swap3A_25, %swap3A_26, %swap3A_27] : memref<3x8x1024xf32, #tpu.memory_space<vmem>>, vector<3x8x1024xf32>
    tpu.vector_store %arg2[%swap3A_25, %swap3A_26, %swap3A_27], %broadcast_in_dim3A_24 {strides = array<i32>} : memref<3x8x1024xf32, #tpu.memory_space<vmem>>, vector<3x8x1024xf32>,
    %broadcast_in_dim3A_29 = arith.constant 0 : i32
    %broadcast_in_dim3A_30 = vector.broadcast %broadcast_in_dim3A_29 : i32 to vector<8x1xi32>
    %scan3A = arith.constant 0 : i32
    %scan3A_31 = arith.constant 1024 : i32
    %scan3A_32 = arith.addi %scan3A, %scan3A_31 : i32
    %scan3A_33 = arith.constant 1 : i32
    %scan3A_34 = scf.for %scan3A_36 = %scan3A to %scan3A_32 step %scan3A_33 iter_args(%scan3A_37 = %broadcast_in_dim3A_30) -> (vector<8x1xi32>)  : i32 {
      %eq3A = vector.broadcast %scan3A_37 : vector<8x1xi32> to vector<8x8192xi32>
      %eq3A_38 = arith.cmpi eq, %iota3A, %eq3A : vector<8x8192xi32>
      %jit3A = arith.constant 0xFF800000 : f32
      %broadcast_in_dim3A_39 = vector.broadcast %jit3A : f32 to vector<8x8192xf32>
      %select_n3A = arith.select %eq3A_38, %get3A_3, %broadcast_in_dim3A_39 : vector<8x8192xi1>, vector<8x8192xf32>
      %reduce_max3A = arith.constant dense<0xFF800000> : vector<8xf32>
      %reduce_max3A_40 = vector.multi_reduction <maximumf>, %select_n3A, %reduce_max3A [1] : vector<8x8192xf32> to vector<8xf32>
      %broadcast_in_dim3A_41 = vector.shape_cast %reduce_max3A_40 : vector<8xf32> to vector<8x1xf32>
      %jit3A_42 = arith.constant 0xFF800000 : f32
      %broadcast_in_dim3A_43 = vector.broadcast %jit3A_42 : f32 to vector<8x8192xf32>
      %select_n3A_44 = arith.select %eq3A_38, %get3A_8, %broadcast_in_dim3A_43 : vector<8x8192xi1>, vector<8x8192xf32>
      %reduce_max3A_45 = arith.constant dense<0xFF800000> : vector<8xf32>
      %reduce_max3A_46 = vector.multi_reduction <maximumf>, %select_n3A_44, %reduce_max3A_45 [1] : vector<8x8192xf32> to vector<8xf32>
      %broadcast_in_dim3A_47 = vector.shape_cast %reduce_max3A_46 : vector<8xf32> to vector<8x1xf32>
      %jit3A_48 = arith.constant 0xFF800000 : f32
      %broadcast_in_dim3A_49 = vector.broadcast %jit3A_48 : f32 to vector<8x8192xf32>
      %select_n3A_50 = arith.select %eq3A_38, %get3A_13, %broadcast_in_dim3A_49 : vector<8x8192xi1>, vector<8x8192xf32>
      %reduce_max3A_51 = arith.constant dense<0xFF800000> : vector<8xf32>
      %reduce_max3A_52 = vector.multi_reduction <maximumf>, %select_n3A_50, %reduce_max3A_51 [1] : vector<8x8192xf32> to vector<8xf32>
      %broadcast_in_dim3A_53 = vector.shape_cast %reduce_max3A_52 : vector<8xf32> to vector<8x1xf32>
      %eq3A_54 = vector.broadcast %scan3A_36 : i32 to vector<8x1024xi32>
      %eq3A_55 = arith.cmpi eq, %iota3A_14, %eq3A_54 : vector<8x1024xi32>
      %get3A_56 = arith.constant 0 : index
      %get3A_57 = arith.constant 0 : index
      %get3A_58 = vector.load %arg1[%get3A_56, %get3A_57] : memref<8x1024xi32, #tpu.memory_space<vmem>>, vector<8x1024xi32>
      %broadcast_in_dim3A_59 = vector.shape_cast %scan3A_37 : vector<8x1xi32> to vector<8x1xi32>
      %broadcast_in_dim3A_60 = vector.broadcast %broadcast_in_dim3A_59 : vector<8x1xi32> to vector<8x1024xi32>
      %select_n3A_61 = arith.select %eq3A_55, %broadcast_in_dim3A_60, %get3A_58 : vector<8x1024xi1>, vector<8x1024xi32>
      %swap3A_62 = arith.constant 0 : index
      %swap3A_63 = arith.constant 0 : index
      %swap3A_64 = vector.load %arg1[%swap3A_62, %swap3A_63] : memref<8x1024xi32, #tpu.memory_space<vmem>>, vector<8x1024xi32>
      tpu.vector_store %arg1[%swap3A_62, %swap3A_63], %select_n3A_61 {strides = array<i32>} : memref<8x1024xi32, #tpu.memory_space<vmem>>, vector<8x1024xi32>,
      %get3A_65 = arith.constant 0 : index
      %get3A_66 = arith.constant 0 : index
      %get3A_67 = arith.constant 0 : index
      %get3A_68 = vector.load %arg2[%get3A_65, %get3A_66, %get3A_67] : memref<3x8x1024xf32, #tpu.memory_space<vmem>>, vector<1x8x1024xf32>
      %get3A_69 = vector.shape_cast %get3A_68 : vector<1x8x1024xf32> to vector<8x1024xf32>
      %broadcast_in_dim3A_70 = vector.shape_cast %broadcast_in_dim3A_41 : vector<8x1xf32> to vector<8x1xf32>
      %broadcast_in_dim3A_71 = vector.broadcast %broadcast_in_dim3A_70 : vector<8x1xf32> to vector<8x1024xf32>
      %select_n3A_72 = arith.select %eq3A_55, %broadcast_in_dim3A_71, %get3A_69 : vector<8x1024xi1>, vector<8x1024xf32>
      %swap3A_73 = arith.constant 0 : index
      %swap3A_74 = arith.constant 0 : index
      %swap3A_75 = arith.constant 0 : index
      %swap3A_76 = vector.load %arg2[%swap3A_73, %swap3A_74, %swap3A_75] : memref<3x8x1024xf32, #tpu.memory_space<vmem>>, vector<1x8x1024xf32>
      %swap3A_77 = vector.shape_cast %swap3A_76 : vector<1x8x1024xf32> to vector<8x1024xf32>
      %swap3A_78 = vector.shape_cast %select_n3A_72 : vector<8x1024xf32> to vector<1x8x1024xf32>
      tpu.vector_store %arg2[%swap3A_73, %swap3A_74, %swap3A_75], %swap3A_78 {strides = array<i32>} : memref<3x8x1024xf32, #tpu.memory_space<vmem>>, vector<1x8x1024xf32>,
      %get3A_79 = arith.constant 1 : index
      %get3A_80 = arith.constant 0 : index
      %get3A_81 = arith.constant 0 : index
      %get3A_82 = vector.load %arg2[%get3A_79, %get3A_80, %get3A_81] : memref<3x8x1024xf32, #tpu.memory_space<vmem>>, vector<1x8x1024xf32>
      %get3A_83 = vector.shape_cast %get3A_82 : vector<1x8x1024xf32> to vector<8x1024xf32>
      %broadcast_in_dim3A_84 = vector.shape_cast %broadcast_in_dim3A_47 : vector<8x1xf32> to vector<8x1xf32>
      %broadcast_in_dim3A_85 = vector.broadcast %broadcast_in_dim3A_84 : vector<8x1xf32> to vector<8x1024xf32>
      %select_n3A_86 = arith.select %eq3A_55, %broadcast_in_dim3A_85, %get3A_83 : vector<8x1024xi1>, vector<8x1024xf32>
      %swap3A_87 = arith.constant 1 : index
      %swap3A_88 = arith.constant 0 : index
      %swap3A_89 = arith.constant 0 : index
      %swap3A_90 = vector.load %arg2[%swap3A_87, %swap3A_88, %swap3A_89] : memref<3x8x1024xf32, #tpu.memory_space<vmem>>, vector<1x8x1024xf32>
      %swap3A_91 = vector.shape_cast %swap3A_90 : vector<1x8x1024xf32> to vector<8x1024xf32>
      %swap3A_92 = vector.shape_cast %select_n3A_86 : vector<8x1024xf32> to vector<1x8x1024xf32>
      tpu.vector_store %arg2[%swap3A_87, %swap3A_88, %swap3A_89], %swap3A_92 {strides = array<i32>} : memref<3x8x1024xf32, #tpu.memory_space<vmem>>, vector<1x8x1024xf32>,
      %get3A_93 = arith.constant 2 : index
      %get3A_94 = arith.constant 0 : index
      %get3A_95 = arith.constant 0 : index
      %get3A_96 = vector.load %arg2[%get3A_93, %get3A_94, %get3A_95] : memref<3x8x1024xf32, #tpu.memory_space<vmem>>, vector<1x8x1024xf32>
      %get3A_97 = vector.shape_cast %get3A_96 : vector<1x8x1024xf32> to vector<8x1024xf32>
      %broadcast_in_dim3A_98 = vector.shape_cast %broadcast_in_dim3A_53 : vector<8x1xf32> to vector<8x1xf32>
      %broadcast_in_dim3A_99 = vector.broadcast %broadcast_in_dim3A_98 : vector<8x1xf32> to vector<8x1024xf32>
      %select_n3A_100 = arith.select %eq3A_55, %broadcast_in_dim3A_99, %get3A_97 : vector<8x1024xi1>, vector<8x1024xf32>
      %swap3A_101 = arith.constant 2 : index
      %swap3A_102 = arith.constant 0 : index
      %swap3A_103 = arith.constant 0 : index
      %swap3A_104 = vector.load %arg2[%swap3A_101, %swap3A_102, %swap3A_103] : memref<3x8x1024xf32, #tpu.memory_space<vmem>>, vector<1x8x1024xf32>
      %swap3A_105 = vector.shape_cast %swap3A_104 : vector<1x8x1024xf32> to vector<8x1024xf32>
      %swap3A_106 = vector.shape_cast %select_n3A_100 : vector<8x1024xf32> to vector<1x8x1024xf32>
      tpu.vector_store %arg2[%swap3A_101, %swap3A_102, %swap3A_103], %swap3A_106 {strides = array<i32>} : memref<3x8x1024xf32, #tpu.memory_space<vmem>>, vector<1x8x1024xf32>,
      %sub3A = vector.broadcast %broadcast_in_dim3A_41 : vector<8x1xf32> to vector<8x8192xf32>
      %sub3A_107 = arith.subf %get3A_3, %sub3A : vector<8x8192xf32>
      %sub3A_108 = vector.broadcast %broadcast_in_dim3A_47 : vector<8x1xf32> to vector<8x8192xf32>
      %sub3A_109 = arith.subf %get3A_8, %sub3A_108 : vector<8x8192xf32>
      %sub3A_110 = vector.broadcast %broadcast_in_dim3A_53 : vector<8x1xf32> to vector<8x8192xf32>
      %sub3A_111 = arith.subf %get3A_13, %sub3A_110 : vector<8x8192xf32>
      %mul3A = arith.mulf %sub3A_107, %sub3A_107 : vector<8x8192xf32>
      %mul3A_112 = arith.mulf %sub3A_109, %sub3A_109 : vector<8x8192xf32>
      %add3A = arith.addf %mul3A, %mul3A_112 : vector<8x8192xf32>
      %mul3A_113 = arith.mulf %sub3A_111, %sub3A_111 : vector<8x8192xf32>
      %add3A_114 = arith.addf %add3A, %mul3A_113 : vector<8x8192xf32>
      %get3A_115 = arith.constant 0 : index
      %get3A_116 = arith.constant 0 : index
      %get3A_117 = vector.load %arg3[%get3A_115, %get3A_116] : memref<8x8192xf32, #tpu.memory_space<vmem>>, vector<8x8192xf32>
      %min3A = arith.minimumf %get3A_117, %add3A_114 : vector<8x8192xf32>
      %swap3A_118 = arith.constant 0 : index
      %swap3A_119 = arith.constant 0 : index
      %swap3A_120 = vector.load %arg3[%swap3A_118, %swap3A_119] : memref<8x8192xf32, #tpu.memory_space<vmem>>, vector<8x8192xf32>
      tpu.vector_store %arg3[%swap3A_118, %swap3A_119], %min3A {strides = array<i32>} : memref<8x8192xf32, #tpu.memory_space<vmem>>, vector<8x8192xf32>,
      %reduce_max3A_121 = arith.constant dense<0xFF800000> : vector<8xf32>
      %reduce_max3A_122 = vector.multi_reduction <maximumf>, %min3A, %reduce_max3A_121 [1] : vector<8x8192xf32> to vector<8xf32>
      %broadcast_in_dim3A_123 = vector.shape_cast %reduce_max3A_122 : vector<8xf32> to vector<8x1xf32>
      %eq3A_124 = vector.broadcast %broadcast_in_dim3A_123 : vector<8x1xf32> to vector<8x8192xf32>
      %eq3A_125 = arith.cmpf oeq, %min3A, %eq3A_124 : vector<8x8192xf32>
      %jit3A_126 = arith.constant 8192 : i32
      %broadcast_in_dim3A_127 = vector.broadcast %jit3A_126 : i32 to vector<8x8192xi32>
      %select_n3A_128 = arith.select %eq3A_125, %iota3A, %broadcast_in_dim3A_127 : vector<8x8192xi1>, vector<8x8192xi32>
      %reduce_min3A = arith.constant dense<2147483647> : vector<8xi32>
      %reduce_min3A_129 = vector.multi_reduction <minsi>, %select_n3A_128, %reduce_min3A [1] : vector<8x8192xi32> to vector<8xi32>
      %broadcast_in_dim3A_130 = vector.shape_cast %reduce_min3A_129 : vector<8xi32> to vector<8x1xi32>
      scf.yield %broadcast_in_dim3A_130 : vector<8x1xi32>
    }
    %scan3A_35 = arith.constant 1024 : i32
    return
  }
}

module attributes {stable_mosaic.version = 14 : i64} {
  func.func @_dist_kernel(%arg0: i32, %arg1: i32, %arg2: memref<1x256x3xf32, #tpu.memory_space<vmem>>, %arg3: memref<1x3x8192xf32, #tpu.memory_space<vmem>>, %arg4: memref<1x256x8192xf32, #tpu.memory_space<vmem>>) attributes {dimension_semantics = [#tpu.dimension_semantics<arbitrary>, #tpu.dimension_semantics<arbitrary>], iteration_bounds = array<i64: 8, 4>, scalar_prefetch = 0 : i64, scratch_operands = 0 : i64, tpu.core_type = #tpu.core_type<tc>, window_params = [{transform_indices = @transform_0, window_bounds = array<i64: 1, 256, 3>}, {transform_indices = @transform_1, window_bounds = array<i64: 1, 3, 8192>}, {transform_indices = @transform_2, window_bounds = array<i64: 1, 256, 8192>}]} {
    %get3A = arith.constant 0 : index
    %get3A_0 = arith.constant 0 : index
    %get3A_1 = arith.constant 0 : index
    %get3A_2 = vector.load %arg2[%get3A, %get3A_0, %get3A_1] : memref<1x256x3xf32, #tpu.memory_space<vmem>>, vector<1x256x3xf32>
    %get3A_3 = vector.shape_cast %get3A_2 : vector<1x256x3xf32> to vector<256x3xf32>
    %get3A_4 = arith.constant 0 : index
    %get3A_5 = arith.constant 0 : index
    %get3A_6 = arith.constant 0 : index
    %get3A_7 = vector.load %arg3[%get3A_4, %get3A_5, %get3A_6] : memref<1x3x8192xf32, #tpu.memory_space<vmem>>, vector<1x3x8192xf32>
    %get3A_8 = vector.shape_cast %get3A_7 : vector<1x3x8192xf32> to vector<3x8192xf32>
    %convert_element_type3A = arith.truncf %get3A_3 : vector<256x3xf32> to vector<256x3xbf16>
    %convert_element_type3A_9 = arith.truncf %get3A_8 : vector<3x8192xf32> to vector<3x8192xbf16>
    %dot_general3A = arith.constant dense<0.000000e+00> : vector<256x8192xf32>
    %dot_general3A_10 = tpu.matmul %convert_element_type3A, %convert_element_type3A_9, %dot_general3A {dimension_numbers = #tpu.dot_dimension_numbers<[1], [0], [0], [1], [0, 0, 1, 1], [], []>, transpose_lhs_hint = false} : vector<256x3xbf16>, vector<3x8192xbf16>, vector<256x8192xf32> -> vector<256x8192xf32>
    %mul3A = arith.mulf %get3A_3, %get3A_3 : vector<256x3xf32>
    %reduce_sum3A = arith.constant dense<0.000000e+00> : vector<256xf32>
    %reduce_sum3A_11 = vector.multi_reduction <add>, %mul3A, %reduce_sum3A [1] : vector<256x3xf32> to vector<256xf32>
    %broadcast_in_dim3A = vector.shape_cast %reduce_sum3A_11 : vector<256xf32> to vector<256x1xf32>
    %mul3A_12 = arith.mulf %get3A_8, %get3A_8 : vector<3x8192xf32>
    %reduce_sum3A_13 = arith.constant dense<0.000000e+00> : vector<8192xf32>
    %reduce_sum3A_14 = vector.multi_reduction <add>, %mul3A_12, %reduce_sum3A_13 [0] : vector<3x8192xf32> to vector<8192xf32>
    %broadcast_in_dim3A_15 = vector.shape_cast %reduce_sum3A_14 : vector<8192xf32> to vector<1x8192xf32>
    %mul3A_16 = arith.constant -2.000000e+00 : f32
    %mul3A_17 = vector.broadcast %mul3A_16 : f32 to vector<256x8192xf32>
    %mul3A_18 = arith.mulf %mul3A_17, %dot_general3A_10 : vector<256x8192xf32>
    %add3A = vector.broadcast %broadcast_in_dim3A : vector<256x1xf32> to vector<256x8192xf32>
    %add3A_19 = arith.addf %mul3A_18, %add3A : vector<256x8192xf32>
    %add3A_20 = vector.broadcast %broadcast_in_dim3A_15 : vector<1x8192xf32> to vector<256x8192xf32>
    %add3A_21 = arith.addf %add3A_19, %add3A_20 : vector<256x8192xf32>
    %swap3A = arith.constant 0 : index
    %swap3A_22 = arith.constant 0 : index
    %swap3A_23 = arith.constant 0 : index
    %swap3A_24 = vector.load %arg4[%swap3A, %swap3A_22, %swap3A_23] : memref<1x256x8192xf32, #tpu.memory_space<vmem>>, vector<1x256x8192xf32>
    %swap3A_25 = vector.shape_cast %swap3A_24 : vector<1x256x8192xf32> to vector<256x8192xf32>
    %swap3A_26 = vector.shape_cast %add3A_21 : vector<256x8192xf32> to vector<1x256x8192xf32>
    tpu.vector_store %arg4[%swap3A, %swap3A_22, %swap3A_23], %swap3A_26 {strides = array<i32>} : memref<1x256x8192xf32, #tpu.memory_space<vmem>>, vector<1x256x8192xf32>,
    return
  }
  func.func @transform_0(%arg0: i32, %arg1: i32) -> (i32, i32, i32) {
    %c0_i32 = arith.constant 0 : i32
    %c0_i32_0 = arith.constant 0 : i32
    return %arg0, %arg1, %c0_i32 : i32, i32, i32
  }
  func.func @transform_1(%arg0: i32, %arg1: i32) -> (i32, i32, i32) {
    %c0_i32 = arith.constant 0 : i32
    %c0_i32_0 = arith.constant 0 : i32
    %c0_i32_1 = arith.constant 0 : i32
    return %arg0, %c0_i32, %c0_i32_0 : i32, i32, i32
  }
  func.func @transform_2(%arg0: i32, %arg1: i32) -> (i32, i32, i32) {
    %c0_i32 = arith.constant 0 : i32
    %c0_i32_0 = arith.constant 0 : i32
    return %arg0, %arg1, %c0_i32 : i32, i32, i32
  }
}

</mosaic_0001>

<sc_bundles>
// kernel: gather_offload_async_start
scs
__scs_entry_jumppad:
0x0: {  	(pc) =	sbr.rel $0x88, $3  }
0x1: {  	(tag) =	ssettag $0x0;
	lr =	simm.s32 $0x1  }
0x2: {  	[smem:$0x3F93] =	sst lr;
	_ =	strace $0xD0000000  }
0x3: {  	_ = 	snop  }
0x4: {  	_ = 	snop  }
0x5: {  	_ = 	snop  }
0x6: {  	_ = 	snop  }
0x7: {  	_ = 	snop  }
__scs_overlays_trampoline_lowered:
0x8: {  	[smem:$0x3FA2] =	sst s0  }
0x9: {  	[smem:$0x3FA3] =	sst s1  }
0xa: {  	[smem:$0x3FA4] =	sst s2  }
0xb: {  	[smem:$0x3FA5] =	sst s3  }
0xc: {  	[smem:$0x3FA6] =	sst s4  }
0xd: {  	[smem:$0x3FA7] =	sst s5  }
0xe: {  	[smem:$0x3FA8] =	sst s6  }
0xf: {  	[smem:$0x3FA9] =	sst s7  }
0x10: {  	[smem:$0x3FAA] =	sst s8  }
0x11: {  	[smem:$0x3FAB] =	sst s9;
	s0 =	simm.s32 @!p0 $0x0  }
0x12: {  	s1 =	sld [smem:$0x3F91];
	s0 =	simm.s32 @p0 $0x1  }
0x13: {  	[smem:$0x3FAC] =	sst s0;
	s0 =	simm.s32 @!p1 $0x0  }
0x14: {  	s2 =	sld [smem:$0x3F90];
	s0 =	simm.s32 @p1 $0x1  }
0x15: {  	[smem:$0x3FAD] =	sst s0;
	s0 =	simm.s32 @!p2 $0x0  }
0x16: {  	s3 =	sld [smem:$0x3FDB];
	s0 =	simm.s32 @p2 $0x1  }
0x17: {  	s4 =	simm.s32 $0x1BF5;
	[smem:$0x3FAF] =	sst s0  }
0x18: {  	s0 =	sld [smem:$0x3F92];
	_ =	swait.ge [sflag:s4], $0x0  }
0x19: {  	s7 =	sld [smem:$0x3F93]  }
0x1a: {  	s8 =	sadd.s32 $0xFFFFE003, lr  }
0x1b: {  	s9 =	sadd.s32 $0xFFFFFEF7, lr;
	s5 =	simm.s32 $0xFFFFFFFF;
	p2 =	slt.u32 s8, $0xFFFFF086  }
0x1c: {  	p1 =	slt.u32 s9, $0xF7A;
	s5 =	simm.s32 @!p2 $0x0  }
0x1d: {  	s5 =	simm.s32 @p1 $0x1;
	p0 =	seq.s32 s7, s2  }
0x1e: {  	s7 =	smul.u32 @!p0 $0xF7A, s2;
	p2 =	seq.s32 @!p0 s5, $0x0  }
0x1f: {  	s9 =	smul.u32 $0xF7A, s1;
	s8 =	simm.s32 @!p0 $0x1BF5;
	p2 =	por !p2, p0  }
0x20: {  	[sflag:s8] =	ssyncset.s32 @!p0 $0xFFFFF086;
	s6 =	sadd.s32 @!p0 s3, s7;
	s7 =	simm.s32 @!p0 $0x108  }
0x21: {  	s3 =	sadd.s32 s3, s9;
	s6 =	sadd.s32 @!p0 $0x88, s6;
	s7 =	simm.s32 @p2 $0x1082  }
0x22: {  	[simem:s7], [sflag:s8] =	dma.local @!p0 [hbm:s6], $0xF7A  }
0x23: {  	s9 =	sor.u32 $0xD0000000, s2;
	s6 =	simm.s32 $0x108;
	_ =	swait.ge @!p0 [sflag:s8], $0x0  }
0x24: {  	s3 =	sadd.s32 $0x88, s3;
	s6 =	simm.s32 @!p1 $0x1082;
	[sflag:s4] =	ssyncset.s32 $0xFFFFF086  }
0x25: {  	[simem:s6], [sflag:s4] =	dma.local [hbm:s3], $0xF7A  }
0x26: {  	[smem:$0x3F93] =	sst s1;
	(tag) =	ssettag s2;
	_ =	strace s9  }
0x27: {  	s1 =	sld [smem:$0x3FA3]  }
0x28: {  	s2 =	sld [smem:$0x3FA4]  }
0x29: {  	s4 =	sld [smem:$0x3FA6]  }
0x2a: {  	p0 =	seq.s32 s5, $0x0;
	s5 =	sld [smem:$0x3FA7]  }
0x2b: {  	s6 =	sld [smem:$0x3FA8]  }
0x2c: {  	s7 =	sld [smem:$0x3FA9]  }
0x2d: {  	s3 =	simm.s32 $0x108;
	s8 =	sld [smem:$0x3FAA]  }
0x2e: {  	s3 =	simm.s32 @!p0 $0x1082;
	s9 =	sld [smem:$0x3FAB]  }
0x2f: {  	lr =	sadd.s32 s0, s3;
	s0 =	sld [smem:$0x3FA2]  }
0x30: {  	s3 =	sld [smem:$0x3FA5]  }
0x31: {  	[smem:$0x3FAE] =	sst s10  }
0x32: {  	s10 =	sld [smem:$0x3FAC];
	_ =	sdelay $0x3  }
0x33: {  	p0 =	seq.s32 s10, $0x1;
	s10 =	sld [smem:$0x3FAE];
	_ =	sdelay $0x3  }
0x34: {  	[smem:$0x3FAE] =	sst s10  }
0x35: {  	s10 =	sld [smem:$0x3FAD];
	_ =	sdelay $0x3  }
0x36: {  	p1 =	seq.s32 s10, $0x1;
	s10 =	sld [smem:$0x3FAE];
	_ =	sdelay $0x3  }
0x37: {  	[smem:$0x3FAE] =	sst s10  }
0x38: {  	s10 =	sld [smem:$0x3FAF]  }
0x39: {  	_ = 	snop;
	(pc) =	sbr.ind lr, $3  }
0x3a: {  	_ = 	snop  }
0x3b: {  	_ = 	snop  }
0x3c: {  	p2 =	seq.s32 s10, $0x1;
	s10 =	sld [smem:$0x3FAE]  }
0x3d: {  	_ =	shalt  }
0x3e: {  	_ =	shalt  }
0x3f: {  	_ =	shalt  }
0x40: {  	_ =	shalt  }
0x41: {  	_ =	shalt  }
0x42: {  	_ =	shalt  }
0x43: {  	_ =	shalt  }
0x44: {  	_ =	shalt  }
0x45: {  	_ =	shalt  }
0x46: {  	_ =	shalt  }
0x47: {  	_ =	shalt  }
0x48: {  	_ =	shalt  }
0x49: {  	_ =	shalt  }
0x4a: {  	_ =	shalt  }
0x4b: {  	_ =	shalt  }
0x4c: {  	_ =	shalt  }
0x4d: {  	_ =	shalt  }
0x4e: {  	_ =	shalt  }
0x4f: {  	_ =	shalt  }
0x50: {  	_ =	shalt  }
0x51: {  	_ =	shalt  }
0x52: {  	_ =	shalt  }
0x53: {  	_ =	shalt  }
0x54: {  	_ =	shalt  }
0x55: {  	_ =	shalt  }
0x56: {  	_ =	shalt  }
0x57: {  	_ =	shalt  }
0x58: {  	_ =	shalt  }
0x59: {  	_ =	shalt  }
0x5a: {  	_ =	shalt  }
0x5b: {  	_ =	shalt  }
0x5c: {  	_ =	shalt  }
0x5d: {  	_ =	shalt  }
0x5e: {  	_ =	shalt  }
0x5f: {  	_ =	shalt  }
0x60: {  	_ =	shalt  }
0x61: {  	_ =	shalt  }
0x62: {  	_ =	shalt  }
0x63: {  	_ =	shalt  }
0x64: {  	_ =	shalt  }
0x65: {  	_ =	shalt  }
0x66: {  	_ =	shalt  }
0x67: {  	_ =	shalt  }
0x68: {  	_ =	shalt  }
0x69: {  	_ =	shalt  }
0x6a: {  	_ =	shalt  }
0x6b: {  	_ =	shalt  }
0x6c: {  	_ =	shalt  }
0x6d: {  	_ =	shalt  }
0x6e: {  	_ =	shalt  }
0x6f: {  	_ =	shalt  }
0x70: {  	_ =	shalt  }
0x71: {  	_ =	shalt  }
0x72: {  	_ =	shalt  }
0x73: {  	_ =	shalt  }
0x74: {  	_ =	shalt  }
0x75: {  	_ =	shalt  }
0x76: {  	_ =	shalt  }
0x77: {  	_ =	shalt  }
0x78: {  	_ =	shalt  }
0x79: {  	_ =	shalt  }
0x7a: {  	_ =	shalt  }
0x7b: {  	_ =	shalt  }
0x7c: {  	_ =	shalt  }
0x7d: {  	_ =	shalt  }
0x7e: {  	_ =	shalt  }
0x7f: {  	_ =	shalt  }
0x80: {  	_ =	shalt  }
0x81: {  	_ =	shalt  }
0x82: {  	_ =	shalt  }
0x83: {  	_ =	shalt  }
0x84: {  	_ =	shalt  }
0x85: {  	_ =	shalt  }
0x86: {  	_ =	shalt  }
0x87: {  	_ =	shalt  }
.Lfunc_end0:
.L_simem_size_0:
called_computation.1_lowered:
.L_overlay_start_0:
0x88: {  	s2 =	sld [smem:$0x3FD9]  }
0x89: {  	s3 =	sld [smem:$0x3FFE];
	_ =	sdelay $0x1  }
0x8a: {  	s1 =	srdreg.scid  }
0x8b: {  	s0 =	sand.u32 $0x1, s1  }
0x8c: {  	s16 =	sshll.u32 s0, $0xA;
	s2 =	sadd.s32 s3, s2  }
0x8d: {  	s2 =	sadd.s32 s2, s16  }
0x8e: {  	[smem:$0x3FBA] =	sst s2  }
0x8f: {  	_ = 	snop  }
0x90: {  	(tm) =	ssettm $0x1  }
0x91: {  	s17 =	sld [smem:$0x3FFB];
	_ =	sdelay $0x3  }
0x92: {  	_ =	strace s17  }
0x93: {  	s2 =	sld [smem:$0x3FFC];
	_ =	sdelay $0x3  }
0x94: {  	_ =	strace s2  }
0x95: {  	s2 =	sld [smem:$0x3FFD];
	_ =	sdelay $0x3  }
0x96: {  	_ =	strace s2  }
0x97: {  	_ =	strace $0x8FFFFFFF  }
0x98: {  	s18 =	sld [smem:$0x3FDB];
	_ =	sdelay $0x1  }
0x99: {  	s19 =	simm.s32 $_scs_section_size  }
0x9a: {  	s4 =	simm.s32 $_size__tile_overlayer_lowered;
	s5 =	simm.s32 $_tile_overlayer_lowered  }
0x9b: {  	s22 =	simm.s32 $0x1BFF;
	s21 =	sshll.u32 s5, $0x1;
	s2 =	sadd.s32 s19, s18  }
0x9c: {  	s6 =	simm.s32 $0x0;
	s20 =	sshll.u32 s4, $0x1;
	s4 =	sadd.s32 s21, s2  }
0x9d: {  	[timem:s6], [sflag:s22] =	dma.local [hbm:s4], s20  }
0x9e: {  	_ =	swait.ge [sflag:s22], s20  }
0x9f: {  	s3 =	ssub.s32 $0x0, s20;
	[sflag:s22] =	ssyncset.done $0x0  }
0xa0: {  	[sflag:s22] =	ssyncadd.s32 s3;
	_ =	sdelay $0x1  }
0xa1: {  	s23 =	simm.s32 $0x1B8B  }
0xa2: {  	_ =	swait.ge [sflag:s23], $0x1  }
0xa3: {  	[sflag:s23] =	ssyncset.done $0x0  }
0xa4: {  	s25 =	simm.s32 $0x1B8E;
	s24 =	sld [smem:$0x3FFE];
	[sflag:s23] =	ssyncadd.s32 $0xFFFFFFFF  }
0xa5: {  	s26 =	simm.s32 $execute0_lowered;
	[smem:$0x3FD2] =	sst s25  }
0xa6: {  	s4 =	sshll.u32 s26, $0x1;
	_ =	strace $0x80000046;
	[dreg:$0x1] =	wrdreg $0xFFFFFFFF  }
0xa7: {  	s28 =	simm.s32 $_size_execute0_lowered;
	s2 =	sadd.s32 s2, s4;
	[dreg:$0x0] =	wrdreg $0x0  }
0xa8: {  	s4 =	sshll.u32 s28, $0x1;
	[dreg:$0x2] =	wrdreg s2  }
0xa9: {  	[dreg:$0x3] =	wrdreg s4  }
0xaa: {  	[dreg:$0x4] =	wrdreg $0xC0  }
0xab: {  	_ =	task [dreg:s6], $0x5FFFF  }
0xac: {  	[dreg:$0x1] =	wrdreg $0xFFFFFFFF  }
0xad: {  	[dreg:$0x0] =	wrdreg $0x60  }
0xae: {  	[dreg:$0x2] =	wrdreg s24  }
0xaf: {  	[dreg:$0x3] =	wrdreg $0xA  }
0xb0: {  	_ =	task.clear_ibuf [dreg:s6], $0x4FFFF;
	_ =	strace $0x90000046  }
0xb1: {  	s29 =	simm.s32 $0xA;
	_ =	strace $0x80000048  }
0xb2: {  	_ =	swait.ge [sflag:s29], $0x1  }
0xb3: {  	[sflag:s29] =	ssyncadd.s32 $0xFFFFFFFF  }
0xb4: {  	_ =	strace $0x90000048  }
0xb5: {  	_ =	sfence  }
0xb6: {  	s30 =	sld [smem:$0x0];
	_ =	sdelay $0x2  }
0xb7: {  	s31 =	sshll.u32 s1, $0xD;
	s1 =	sshrl.u32 s1, $0x2  }
0xb8: {  	s3 =	sand.u32 $0x4000, s31;
	s1 =	sadd.s32 s1, s30  }
0xb9: {  	s0 =	sor.u32 s3, s0;
	s1 =	sshll.u32 s1, $0x11  }
0xba: {  	s0 =	sor.u32 s1, s0  }
0xbb: {  	s0 =	sadd.s32 $0x8F2B, s0  }
0xbc: {  	[sflag:s0] =	ssyncadd.remote.s32 $0x1  }
0xbd: {  	_ =	sfence.sel $0xFFFF  }
0xbe: {  	[dreg:$0x0] =	wrdreg $0xFFFFFFFF;
	(pc) =	sbr.abs _section_cstart, $3  }
0xbf: {  	[dreg:$0x1] =	wrdreg $0xFFFFFFFF  }
0xc0: {  	_ =	task.clear_ibuf [dreg:s6], $0x2FFFF;
	_ =	strace $0x9FFFFFFF  }
0xc1: {  	(tm) =	ssettm $0x7FFFFFFF  }
tec
execute0_lowered:
.L_overlay_start_1:
0x0: {  	(tag) =	ssettag $0x1  }
0x1: {  	s1 =	srdreg.scid  }
0x2: {  	s0 =	stileid.u32;
	s2 =	rddreg [dreg:$0x0];
	s6 =	simm.s32 $0x1  }
0x3: {  	s9 =	simm.s32 $0x1;
	s10 =	simm.s32 $0x3;
	s1 =	sshll.u32 s1, $0xC  }
0x4: {  	s13 =	simm.s32 $0x0;
	s3 =	sshll.u32 s0, $0xD;
	s4 =	sand.u32 $0x1000, s1  }
0x5: {  	s12 =	simm.s32 $0x0;
	s5 =	sadd.s32 $0x58000, s2;
	s3 =	sor.u32 s3, s4  }
0x6: {  	s1 =	rddreg [dreg:$0x1];
	_ =	strace $0x80000047;
	s8 =	ssub.s32 $0x40000, s3  }
.Ltmp0:
0x7: {  	s4 =	sadd.s32 $0x50000, s2;
	s7 =	sand.u32 $0x1F000, s8;
	(pc) =	sbr.rel .LBB2_1-.Ltmp0, $4  }
0x8: {  	[sflag:s6] =	ssyncpa.u1 $0x0;
	s11 =	smov.u32 s3;
	p0 =	sne.s32 s7, $0x0  }
0x9: {  	s8 =	sshrl.u32 s8, $0x11;
	s7 =	simm.s32 $0x2;
	s9 =	simm.s32 @!p0 $0x0  }
0xa: {  	[sflag:s7] =	ssyncpa.u1 $0x0;
	p0 =	por $0x0, $0x0;
	s8 =	sadd.s32 s9, s8  }
0xb: {  	vm0 =	vmmov $0xffff;
	v0 =	vlaneseq.u32;
	[sflag:s10] =	ssyncpa.u1 $0x0;
	s10 =	simm.s32 $0x0;
	s9 =	sadd.s32 $0x1, s8  }
.LBB2_4:
0xc: {  	_ =	sdelay $0x3  }
0xd: {  	[tilespmem:s22], [sflag:$0x1] =	stream.indirect_vreg.gather [hbm4b:s2+s10], $0x1, v1, vm0, $0x4038;
	[tilespmem:$0xA000] =	vst v63  }
0xe: {  	s15 =	sadd.s32 s19, s15  }
0xf: {  	v1 =	vld.msk [tilespmem:s15+$0x0 ss:$0x1], $0xffff;
	_ =	sdelay $0x4  }
0x10: {  	v2 =	vshrl.u32 v1, $0x3;
	v3 =	vshll.u32 v1, $0x12  }
0x11: {  	v4 =	vshrl.u32 v1, $0x1;
	vm1 =	veq.s32 v1, $0x80000000;
	v1 =	vand.u32 $0x3FF, v2  }
0x12: {  	p1 =	sgt.s32 s18, $0x0;
	v2 =	vand.u32 $0x1C0000, v3;
	v3 =	vand.u32 $0x3F000, v4;
	v1 =	vsel vm1, $0xFFFFFFFF, v1  }
0x13: {  	s18 =	simm.s32 @!p1 $0x0;
	v2 =	vor.u32 v3, v2;
	v3 =	vshll.u32 v1, $0x2  }
0x14: {  	s25 =	smin.u32 s18, $0x10;
	v2 =	vsel vm1, $0xFFFBF000, v2;
	v3 =	vand.u32 $0xFFFFFE00, v3  }
0x15: {  	v1 =	vand.u32 $0x7F, v1;
	v2 =	vadd.s32 v2, v3;
	v3 =	vmov s25  }
0x16: {  	v1 =	vor.u32 v1, v2;
	vm1 =	vgt.u32 v3, v0  }
0x17: {  	v2 =	vnsel vm1, $0x7FFFFFFF, v1;
	_ =	sdelay $0x1  }
0x18: {  	s26 =	sand.u32 $0x3E00, s16;
	v3 =	vor.u32 $0x80, v1  }
0x19: {  	s28 =	sand.u32 $0x70, s17;
	(ifvalue) =	ssetifvalue $0x7FFFFFFF;
	s15 =	sadd.s32 s26, s14;
	v3 =	vnsel vm1, $0x7FFFFFFF, v3  }
0x1a: {  	s15 =	sadd.s32 s28, s15;
	(ifvalue) =	ssetifvalue $0x7FFFFFFF  }
0x1b: {  	v63 =	vor.u32 $0x100, v1;
	[tilespmem:s15], [sflag:$0x1] =	stream.indirect_vreg.gather [hbm4b:s2+s10], $0x1, v2, vm0, $0x4038;
	[tilespmem:$0xA000] =	vst v63  }
0x1c: {  	(ifvalue) =	ssetifvalue $0x7FFFFFFF;
	v2 =	vnsel vm1, $0x7FFFFFFF, v63  }
0x1d: {  	s16 =	sadd.s32 $0x80, s15;
	(ifvalue) =	ssetifvalue $0x7FFFFFFF  }
0x1e: {  	v1 =	vor.u32 $0x180, v1;
	[tilespmem:s16], [sflag:$0x1] =	stream.indirect_vreg.gather [hbm4b:s2+s10], $0x1, v3, vm0, $0x4038;
	[tilespmem:$0xA000] =	vst v63  }
0x1f: {  	v1 =	vnsel vm1, $0x7FFFFFFF, v1;
	(ifvalue) =	ssetifvalue $0x7FFFFFFF  }
0x20: {  	s29 =	sadd.s32 $0x100, s15;
	(ifvalue) =	ssetifvalue $0x7FFFFFFF  }
0x21: {  	[tilespmem:s29], [sflag:$0x1] =	stream.indirect_vreg.gather [hbm4b:s2+s10], $0x1, v2, vm0, $0x4038;
	[tilespmem:$0xA000] =	vst v63  }
0x22: {  	(ifvalue) =	ssetifvalue $0x7FFFFFFF  }
0x23: {  	s30 =	sshll.u32 s13, $0x2;
	s15 =	sadd.s32 $0x180, s15;
	(ifvalue) =	ssetifvalue $0x7FFFFFFF  }
0x24: {  	[tilespmem:s15], [sflag:$0x1] =	stream.indirect_vreg.gather [hbm4b:s2+s10], $0x1, v1, vm0, $0x4038;
	[tilespmem:$0xA000] =	vst v63  }
0x25: {  	s31 =	sand.u32 $0x78, s13;
	s15 =	sand.u32 $0xFFFFFE00, s30  }
0x26: {  	_ =	swait.ge [sflag:s6], $0x4000;
	s13 =	sor.u32 s31, s15  }
0x27: {  	[sflag:s6] =	ssyncset.done $0x0;
	s13 =	sshrl.u32 s13, $0x3  }
0x28: {  	[sflag:s6] =	ssyncadd.s32 $0xFFFFC000;
	s13 =	sadd.s32 s5, s13  }
0x29: {  	[hbm:s13] =	stream.linear.scatter [tilespmem:s14], [sflag:$0x3], $0x4000, $0x38;
	[tilespmem:$0xA000] =	vst v63  }
.LBB2_5:
0x2a: {  	s15 =	sadd.s32 $0x20000, s11  }
0x2b: {  	p2 =	sgt.s32 s15, $0x3FFFF  }
0x2c: {  	s15 =	smov.u32 @p2 s3;
	p2 =	sne.s32 s12, s9  }
.Ltmp1:
0x2d: {  	p1 =	slt.u32 s12, $0x2;
	(pc) =	sbr.rel @!p2 .LBB2_6-.Ltmp1, $4  }
0x2e: {  	s14 =	simm.s32 @!p1 $0x3  }
0x2f: {  	s16 =	sadd.s32 $0x1, s12;
	_ =	swait.ge @!p1 [sflag:s14], $0x4000  }
0x30: {  	s13 =	smov.u32 s11;
	p0 =	por !p0, !p0;
	[sflag:s14] =	ssyncset.done @!p1 $0x0  }
0x31: {  	s12 =	smov.u32 s16;
	s11 =	smov.u32 s15;
	[sflag:s14] =	ssyncadd.s32 @!p1 $0xFFFFC000  }
.LBB2_1:
0x32: {  	p1 =	sge.u32 s12, s8  }
0x33: {  	s14 =	sxor.u32 @!p1 $0xFFFFFFFF, s12  }
0x34: {  	s31 =	sadd.s32 $0xFFFFFFFF, s12;
	s15 =	sshrl.u32 @!p1 s11, $0x3;
	s14 =	sshll.u32 @!p1 s14, $0xC  }
0x35: {  	s16 =	sand.u32 @!p1 $0x7, s11;
	s15 =	sadd.s32 @!p1 s4, s15;
	s14 =	sand.u32 @!p1 $0x1000, s14  }
0x36: {  	[tilespmem:s14], [sflag:$0x2] =	stream.linear.gather @!p1 [hbm4b:s15+s16], $0x1000, $0x38;
	[tilespmem:$0xA000] =	vst v63  }
0x37: {  	p1 =	sge.u32 s31, s8  }
.Ltmp2:
0x38: {  	_ = 	snop;
	(pc) =	sbr.rel @p1 .LBB2_5-.Ltmp2, $1  }
0x39: {  	_ =	sdelay $0x3  }
0x3a: {  	s14 =	simm.s32 $0x1  }
0x3b: {  	_ =	swait.ge [sflag:s7], $0x1000;
	s14 =	simm.s32 @!p0 $0x0  }
0x3c: {  	[sflag:s7] =	ssyncset.done $0x0;
	s15 =	sshll.u32 s14, $0xC  }
0x3d: {  	[sflag:s7] =	ssyncadd.s32 $0xFFFFF000;
	s14 =	sadd.s32 $0x0, s15  }
0x3e: {  	v1 =	vld.msk [tilespmem:s14+$0x0 ss:$0x1], $0xffff;
	_ =	sdelay $0x3  }
0x3f: {  	s17 =	ssub.s32 $0x40000, s13  }
0x40: {  	p1 =	slt.s32 s17, $0x1000;
	v2 =	vshrl.u32 v1, $0x3;
	v3 =	vshll.u32 v1, $0x12  }
0x41: {  	s17 =	simm.s32 @!p1 $0x1000;
	v4 =	vshrl.u32 v1, $0x1;
	vm1 =	veq.s32 v1, $0x80000000;
	v1 =	vand.u32 $0x3FF, v2  }
0x42: {  	p1 =	sgt.s32 s17, $0x0;
	s14 =	smov.u32 s17;
	v2 =	vand.u32 $0x1C0000, v3;
	v3 =	vand.u32 $0x3F000, v4;
	v1 =	vsel vm1, $0xFFFFFFFF, v1  }
0x43: {  	s14 =	simm.s32 @!p1 $0x0;
	v2 =	vor.u32 v3, v2;
	v3 =	vshll.u32 v1, $0x2  }
0x44: {  	s14 =	smin.u32 s14, $0x10;
	v2 =	vsel vm1, $0xFFFBF000, v2;
	v3 =	vand.u32 $0xFFFFFE00, v3  }
0x45: {  	v1 =	vand.u32 $0x7F, v1;
	v2 =	vadd.s32 v2, v3;
	v3 =	vmov s14  }
0x46: {  	v1 =	vor.u32 v1, v2;
	vm1 =	vgt.u32 v3, v0  }
0x47: {  	s31 =	sshll.u32 s12, $0xE;
	v2 =	vnsel vm1, $0x7FFFFFFF, v1  }
0x48: {  	s16 =	simm.s32 $0x0;
	s14 =	sand.u32 $0x4000, s31  }
0x49: {  	s18 =	sand.u32 $0x3E00, s16;
	s14 =	sor.u32 $0x2000, s14;
	v3 =	vor.u32 $0x80, v1  }
0x4a: {  	s16 =	sand.u32 $0x70, s16;
	(ifvalue) =	ssetifvalue $0x7FFFFFFF;
	s18 =	sadd.s32 s18, s14;
	v3 =	vnsel vm1, $0x7FFFFFFF, v3  }
0x4b: {  	(ifvalue) =	ssetifvalue $0x7FFFFFFF;
	s20 =	sadd.s32 s16, s18  }
0x4c: {  	v63 =	vor.u32 $0x100, v1;
	[tilespmem:s20], [sflag:$0x1] =	stream.indirect_vreg.gather [hbm4b:s2+s10], $0x1, v2, vm0, $0x4038;
	[tilespmem:$0xA000] =	vst v63  }
0x4d: {  	(ifvalue) =	ssetifvalue $0x7FFFFFFF;
	v2 =	vnsel vm1, $0x7FFFFFFF, v63  }
0x4e: {  	s16 =	sadd.s32 $0x80, s20;
	(ifvalue) =	ssetifvalue $0x7FFFFFFF  }
0x4f: {  	v1 =	vor.u32 $0x180, v1;
	[tilespmem:s16], [sflag:$0x1] =	stream.indirect_vreg.gather [hbm4b:s2+s10], $0x1, v3, vm0, $0x4038;
	[tilespmem:$0xA000] =	vst v63  }
0x50: {  	s19 =	simm.s32 $0x10;
	v1 =	vnsel vm1, $0x7FFFFFFF, v1;
	(ifvalue) =	ssetifvalue $0x7FFFFFFF  }
0x51: {  	s21 =	simm.s32 $0x80;
	s18 =	sadd.s32 $0x100, s20;
	(ifvalue) =	ssetifvalue $0x7FFFFFFF  }
0x52: {  	[tilespmem:s18], [sflag:$0x1] =	stream.indirect_vreg.gather [hbm4b:s2+s10], $0x1, v2, vm0, $0x4038;
	[tilespmem:$0xA000] =	vst v63  }
0x53: {  	s22 =	sadd.s32 $0x180, s20;
	s16 =	simm.s32 $0x40;
	(ifvalue) =	ssetifvalue $0x7FFFFFFF  }
0x54: {  	s18 =	sadd.s32 $0xFFFFFFF0, s17;
	s17 =	simm.s32 $0x10;
	(ifvalue) =	ssetifvalue $0x7FFFFFFF  }
.LBB2_3:
0x55: {  	[tilespmem:s22], [sflag:$0x1] =	stream.indirect_vreg.gather [hbm4b:s2+s10], $0x1, v1, vm0, $0x4038;
	[tilespmem:$0xA000] =	vst v63  }
0x56: {  	s22 =	smov.u32 s21  }
0x57: {  	s20 =	sadd.s32 $0x40, s21;
	s23 =	sadd.s32 s19, s15;
	s19 =	sshra.s32 s22, $0x2  }
0x58: {  	p1 =	sne.s32 s21, $0x3FC0;
	v1 =	vld.msk [tilespmem:s23+$0x0 ss:$0x1], $0xffff  }
0x59: {  	(ifvalue) =	ssetifvalue $0x7FFFFFFF;
	_ =	sdelay $0x4  }
0x5a: {  	v2 =	vshrl.u32 v1, $0x3;
	v3 =	vshll.u32 v1, $0x12;
	v4 =	vshrl.u32 v1, $0x1  }
0x5b: {  	vm1 =	veq.s32 v1, $0x80000000;
	v1 =	vand.u32 $0x3FF, v2;
	v2 =	vand.u32 $0x1C0000, v3  }
0x5c: {  	p2 =	sgt.s32 s18, $0x0;
	s21 =	smov.u32 s18;
	v3 =	vand.u32 $0x3F000, v4;
	v1 =	vsel vm1, $0xFFFFFFFF, v1  }
0x5d: {  	s21 =	simm.s32 @!p2 $0x0;
	v2 =	vor.u32 v3, v2;
	v3 =	vshll.u32 v1, $0x2  }
0x5e: {  	s21 =	smin.u32 s21, $0x10;
	v2 =	vsel vm1, $0xFFFBF000, v2;
	v3 =	vand.u32 $0xFFFFFE00, v3  }
0x5f: {  	v1 =	vand.u32 $0x7F, v1;
	v2 =	vadd.s32 v2, v3;
	v3 =	vmov s21  }
0x60: {  	v1 =	vor.u32 v1, v2;
	vm1 =	vgt.u32 v3, v0  }
0x61: {  	v2 =	vnsel vm1, $0x7FFFFFFF, v1;
	v3 =	vor.u32 $0x80, v1;
	v4 =	vor.u32 $0x100, v1  }
0x62: {  	v1 =	vor.u32 $0x180, v1  }
0x63: {  	s21 =	sand.u32 $0x3E00, s16;
	s16 =	smov.u32 s22  }
0x64: {  	s22 =	sand.u32 $0x70, s17;
	s21 =	sadd.s32 s21, s14;
	v3 =	vnsel vm1, $0x7FFFFFFF, v3  }
0x65: {  	s21 =	sadd.s32 s22, s21;
	(ifvalue) =	ssetifvalue $0x7FFFFFFF  }
0x66: {  	[tilespmem:s21], [sflag:$0x1] =	stream.indirect_vreg.gather [hbm4b:s2+s10], $0x1, v2, vm0, $0x4038;
	[tilespmem:$0xA000] =	vst v63  }
0x67: {  	v2 =	vnsel vm1, $0x7FFFFFFF, v4;
	(ifvalue) =	ssetifvalue $0x7FFFFFFF  }
0x68: {  	s22 =	sadd.s32 $0x80, s21;
	(ifvalue) =	ssetifvalue $0x7FFFFFFF  }
0x69: {  	[tilespmem:s22], [sflag:$0x1] =	stream.indirect_vreg.gather [hbm4b:s2+s10], $0x1, v3, vm0, $0x4038;
	[tilespmem:$0xA000] =	vst v63  }
.Ltmp3:
0x6a: {  	v1 =	vnsel vm1, $0x7FFFFFFF, v1;
	(ifvalue) =	ssetifvalue $0x7FFFFFFF;
	(pc) =	sbr.rel @p1 .LBB2_3-.Ltmp3, $4  }
0x6b: {  	s22 =	sadd.s32 $0x100, s21;
	(ifvalue) =	ssetifvalue $0x7FFFFFFF  }
0x6c: {  	[tilespmem:s22], [sflag:$0x1] =	stream.indirect_vreg.gather [hbm4b:s2+s10], $0x1, v2, vm0, $0x4038;
	[tilespmem:$0xA000] =	vst v63  }
0x6d: {  	s18 =	sadd.s32 $0xFFFFFFF0, s18;
	s17 =	sadd.s32 $0x10, s17;
	(ifvalue) =	ssetifvalue $0x7FFFFFFF  }
0x6e: {  	s22 =	sadd.s32 $0x180, s21;
	s21 =	smov.u32 s20;
	(ifvalue) =	ssetifvalue $0x7FFFFFFF  }
.Ltmp4:
0x6f: {  	_ = 	snop;
	(pc) =	sbr.rel .LBB2_4-.Ltmp4, $1  }
0x70: {  	_ =	sdelay $0x3  }
.LBB2_6:
0x71: {  	_ =	sfence.sel $0x180000  }
0x72: {  	s2 =	simm.s32 $0x2;
	[bflag:$0x0] =	sbarrier.arrive $0xFFFF  }
0x73: {  	s30 =	simm.s32 $0x3;
	[sflag:s2] =	ssyncpa.u1 $0x1  }
0x74: {  	s31 =	simm.s32 $0x1;
	[sflag:s30] =	ssyncpa.u1 $0x1  }
0x75: {  	[sflag:s31] =	ssyncpa.u1 $0x1  }
0x76: {  	p0 =	sne.s32 s0, $0x0;
	_ =	strace $0x90000047  }
0x77: {  	s0 =	sadd.s32 @!p0 $0x100000, s1;
	[bflag:$0x2] =	sbarrier.arrive $0xFFFF  }
0x78: {  	[sflag:s0] =	ssyncadd.tile.s32 @!p0 $0x1;
	_ =	shalt  }
.Lfunc_end2:
_tile_overlayer_lowered:
.L_overlay_start_2:
0x79: {  	(tag) =	ssettag $0x2  }
0x7a: {  	s0 =	rddreg [dreg:$0x0];
	s2 =	stileid.u32  }
0x7b: {  	s1 =	rddreg [dreg:$0x1];
	p0 =	sne.s32 s2, $0x0  }
0x7c: {  	s3 =	rddreg [dreg:$0x2];
	[bflag:$0x3] =	sbarrier.arrive $0xFFFF;
	s2 =	simm.s32 @!p0 $0x1C01  }
0x7d: {  	[timem:s3], [sflag:s2] =	dma.local @!p0 [hbm:s0], s1  }
0x7e: {  	s0 =	simm.s32 @!p0 $0x1  }
0x7f: {  	_ =	swait.ge @!p0 [sflag:s0], s1  }
0x80: {  	s1 =	ssub.s32 @!p0 $0x0, s1;
	[sflag:s0] =	ssyncset.done @!p0 $0x0  }
0x81: {  	[sflag:s0] =	ssyncadd.s32 @!p0 s1  }
0x82: {  	[bflag:$0x3] =	sbarrier.arrive $0xFFFF  }
0x83: {  	_ =	shalt  }

// kernel: sparse-core-data-format-call.cloned.1.call-start
scs
called_computation_lowered:
.L_overlay_start_0:
0x0: {  	s2 =	sld [smem:$0x3FD9]  }
0x1: {  	s3 =	sld [smem:$0x3FFE];
	_ =	sdelay $0x1  }
0x2: {  	s1 =	srdreg.scid  }
0x3: {  	s0 =	sand.u32 $0x1, s1  }
0x4: {  	s18 =	sshll.u32 s0, $0xA;
	s2 =	sadd.s32 s3, s2  }
0x5: {  	s2 =	sadd.s32 s2, s18  }
0x6: {  	[smem:$0x3FBA] =	sst s2  }
0x7: {  	_ = 	snop  }
0x8: {  	(tm) =	ssettm $0x1  }
0x9: {  	s19 =	sld [smem:$0x3FFB];
	_ =	sdelay $0x3  }
0xa: {  	_ =	strace s19  }
0xb: {  	s2 =	sld [smem:$0x3FFC];
	_ =	sdelay $0x3  }
0xc: {  	_ =	strace s2  }
0xd: {  	s2 =	sld [smem:$0x3FFD];
	_ =	sdelay $0x3  }
0xe: {  	_ =	strace s2  }
0xf: {  	_ =	strace $0x8FFFFFFF  }
0x10: {  	s20 =	sld [smem:$0x3FDB];
	_ =	sdelay $0x1  }
0x11: {  	s21 =	simm.s32 $_scs_section_size  }
0x12: {  	s4 =	simm.s32 $_size__tile_overlayer_lowered;
	s5 =	simm.s32 $_tile_overlayer_lowered  }
0x13: {  	s6 =	simm.s32 $0x1BFF;
	s22 =	sshll.u32 s5, $0x1;
	s3 =	sadd.s32 s21, s20  }
0x14: {  	s23 =	simm.s32 $0x0;
	s4 =	sshll.u32 s4, $0x1;
	s5 =	sadd.s32 s22, s3  }
0x15: {  	[timem:s23], [sflag:s6] =	dma.local [hbm:s5], s4  }
0x16: {  	_ =	swait.ge [sflag:s6], s4  }
0x17: {  	s4 =	ssub.s32 $0x0, s4;
	[sflag:s6] =	ssyncset.done $0x0  }
0x18: {  	[sflag:s6] =	ssyncadd.s32 s4;
	_ =	sdelay $0x1  }
0x19: {  	s24 =	simm.s32 $0x1B8B  }
0x1a: {  	_ =	swait.ge [sflag:s24], $0x1  }
0x1b: {  	[sflag:s24] =	ssyncset.done $0x0  }
0x1c: {  	[sflag:s24] =	ssyncadd.s32 $0xFFFFFFFF  }
0x1d: {  	s4 =	sld [smem:$0x0]  }
0x1e: {  	s5 =	sand.u32 $0xFFFFFFFE, s1  }
0x1f: {  	p0 =	sne.s32 s1, s5  }
0x20: {  	s5 =	sshll.u32 @p0 s5, $0xE  }
0x21: {  	s5 =	sadd.s32 @p0 $0x11B8D, s5;
	s6 =	sshll.u32 @p0 s4, $0x11  }
0x22: {  	s5 =	sor.u32 @p0 s6, s5  }
0x23: {  	[sflag:s5] =	ssyncadd.remote.s32 @p0 $0x1;
	_ =	sdelay $0x1  }
0x24: {  	s5 =	simm.s32 @p0 $0x1B8D  }
0x25: {  	_ =	swait.eq @p0 [sflag:s5], $0x1  }
0x26: {  	[sflag:s5] =	ssyncadd.s32 @p0 $0xFFFFFFFF  }
0x27: {  	s6 =	sshll.u32 @!p0 s1, $0xE  }
0x28: {  	s6 =	sor.u32 @!p0 $0x4000, s6;
	s5 =	simm.s32 @!p0 $0x1B8D  }
0x29: {  	s4 =	sshll.u32 @!p0 s4, $0x11;
	s6 =	sadd.s32 @!p0 $0x11B8D, s6;
	_ =	swait.eq @!p0 [sflag:s5], $0x1  }
0x2a: {  	s4 =	sor.u32 @!p0 s4, s6;
	[sflag:s5] =	ssyncadd.s32 @!p0 $0xFFFFFFFF  }
0x2b: {  	s26 =	simm.s32 $0x1B8E;
	s25 =	sld [smem:$0x3FFE];
	[sflag:s4] =	ssyncadd.remote.s32 @!p0 $0x1  }
0x2c: {  	s27 =	simm.s32 $execute0_lowered;
	[smem:$0x3FD2] =	sst s26  }
0x2d: {  	s5 =	sshll.u32 s27, $0x1;
	_ =	strace $0x80000049;
	[dreg:$0x1] =	wrdreg $0xFFFFFFFF  }
0x2e: {  	s28 =	simm.s32 $_size_execute0_lowered;
	s3 =	sadd.s32 s3, s5;
	[dreg:$0x0] =	wrdreg $0x0  }
0x2f: {  	s5 =	sshll.u32 s28, $0x1;
	[dreg:$0x2] =	wrdreg s3  }
0x30: {  	[dreg:$0x3] =	wrdreg s5  }
0x31: {  	[dreg:$0x4] =	wrdreg $0xC0  }
0x32: {  	_ =	task [dreg:s23], $0x5FFFF  }
0x33: {  	[dreg:$0x1] =	wrdreg $0xFFFFFFFF  }
0x34: {  	[dreg:$0x0] =	wrdreg $0x60  }
0x35: {  	[dreg:$0x2] =	wrdreg s25  }
0x36: {  	[dreg:$0x3] =	wrdreg $0x9  }
0x37: {  	_ =	task.clear_ibuf [dreg:s23], $0x4FFFF;
	_ =	strace $0x90000049  }
0x38: {  	s29 =	simm.s32 $0x9;
	_ =	strace $0x8000004B  }
0x39: {  	_ =	swait.ge [sflag:s29], $0x1  }
0x3a: {  	[sflag:s29] =	ssyncadd.s32 $0xFFFFFFFF  }
0x3b: {  	_ =	strace $0x9000004B  }
0x3c: {  	_ =	sfence  }
0x3d: {  	s30 =	sld [smem:$0x0];
	_ =	sdelay $0x2  }
0x3e: {  	s31 =	sshll.u32 s1, $0xD;
	s1 =	sshrl.u32 s1, $0x2  }
0x3f: {  	s4 =	sand.u32 $0x4000, s31;
	s1 =	sadd.s32 s1, s30  }
0x40: {  	s0 =	sor.u32 s4, s0;
	s1 =	sshll.u32 s1, $0x11  }
0x41: {  	s0 =	sor.u32 s1, s0  }
0x42: {  	s0 =	sadd.s32 $0x8F2B, s0  }
0x43: {  	[sflag:s0] =	ssyncadd.remote.s32 $0x1  }
0x44: {  	_ =	sfence.sel $0xFFFF  }
0x45: {  	[dreg:$0x0] =	wrdreg $0xFFFFFFFF;
	(pc) =	sbr.abs _section_cstart, $3  }
0x46: {  	[dreg:$0x1] =	wrdreg $0xFFFFFFFF  }
0x47: {  	_ =	task.clear_ibuf [dreg:s23], $0x2FFFF;
	_ =	strace $0x9FFFFFFF  }
0x48: {  	(tm) =	ssettm $0x7FFFFFFF  }
0x49: {  	_ =	shalt  }
tec
execute0_lowered:
.L_overlay_start_1:
0x0: {  	(tag) =	ssettag $0x1  }
0x1: {  	s0 =	stileid.u32;
	s1 =	srdreg.scid  }
0x2: {  	s4 =	rddreg [dreg:$0x0];
	s7 =	simm.s32 $0x1;
	s31 =	simm.s32 $0x2  }
0x3: {  	s15 =	simm.s32 $0x0;
	s2 =	sshll.u32 s0, $0x4;
	s1 =	sshll.u32 s1, $0x8  }
0x4: {  	s9 =	simm.s32 $0x2000;
	s14 =	simm.s32 $0x0;
	s1 =	sor.u32 s2, s1  }
0x5: {  	s16 =	simm.s32 $0x0;
	s10 =	simm.s32 $0x0;
	s2 =	sand.u32 $0x180, s1  }
0x6: {  	s13 =	simm.s32 $0x0;
	s3 =	sadd.s32 $0x178000, s4;
	s5 =	ssub.s32 $0x400, s2  }
0x7: {  	s4 =	sadd.s32 $0x578000, s4;
	s1 =	rddreg [dreg:$0x1];
	s6 =	sand.u32 $0x180, s5  }
.Ltmp0:
0x8: {  	_ =	strace $0x8000004A;
	p0 =	sne.s32 s6, $0x0;
	(pc) =	sbr.rel .LBB1_1-.Ltmp0, $4  }
0x9: {  	s11 =	smov.u32 s2;
	s8 =	sshrl.u32 s5, $0x9;
	s7 =	simm.s32 @!p0 $0x0  }
0xa: {  	s5 =	sand.u32 $0x7, s0;
	s6 =	simm.s32 $0x1;
	s7 =	sadd.s32 s7, s8  }
0xb: {  	s12 =	smov.u32 s5;
	[sflag:s6] =	ssyncpa.u1 $0x0;
	s7 =	sshll.u32 s7, $0x5  }
0xc: {  	p0 =	por $0x0, $0x0;
	[sflag:s31] =	ssyncpa.u1 $0x0;
	s8 =	sor.u32 $0x1, s7  }
.LBB1_4:
0xd: {  	s16 =	sshll.u32 s16, $0x12  }
0xe: {  	s19 =	sand.u32 $0x1F80, s14;
	s15 =	sshll.u32 s15, $0xD;
	s16 =	sadd.s32 s4, s16  }
0xf: {  	[tilespmem:s18+$0x810 ss:$0x81] =	vst.msk $0xffff, v2;
	s20 =	sshrl.u32 s14, $0x3;
	s30 =	sand.u32 $0x7, s14;
	s16 =	sadd.s32 s19, s16  }
0x10: {  	[tilespmem:s18+$0x1020 ss:$0x81] =	vst.msk $0xffff, v0;
	s31 =	sand.u32 $0xF, s20;
	s14 =	sshll.u32 s30, $0x12;
	s15 =	sadd.s32 s15, s16  }
0x11: {  	[tilespmem:s18+$0x0 ss:$0x81] =	vst.msk $0xffff, v1;
	s14 =	sor.u32 $0x400, s14;
	s15 =	sadd.s32 s31, s15  }
0x12: {  	[hbm4b:s15+s14] =	stream.strided.scatter [tilespmem:s17], [sflag:$0x2], $0x2000, s9, s14, $0x20;
	[tilespmem:$0x8080] =	vst v63  }
.LBB1_5:
0x13: {  	s17 =	sadd.s32 $0x1, s10  }
0x14: {  	s14 =	sadd.s32 $0x200, s11;
	s18 =	smov.u32 s11;
	p2 =	sgt.s32 s17, $0x1F  }
0x15: {  	s18 =	smov.u32 @p2 s14  }
0x16: {  	s20 =	smov.u32 s12;
	s14 =	sadd.s32 $0x8, s12;
	p3 =	sgt.s32 s18, $0x3FF  }
0x17: {  	s20 =	smov.u32 @p3 s14  }
0x18: {  	s17 =	simm.s32 @p2 $0x0;
	p2 =	sgt.s32 s20, $0x7  }
0x19: {  	p1 =	slt.u32 s13, $0x2;
	s20 =	smov.u32 @p2 s5;
	p2 =	sne.s32 s13, s8  }
.Ltmp1:
0x1a: {  	s19 =	simm.s32 @!p1 $0x2;
	(pc) =	sbr.rel @!p2 .LBB1_6-.Ltmp1, $4  }
0x1b: {  	s15 =	smov.u32 s10;
	s16 =	smov.u32 s12;
	_ =	swait.ge @!p1 [sflag:s19], $0x2000  }
0x1c: {  	p0 =	por !p0, !p0;
	[sflag:s19] =	ssyncset.done @!p1 $0x0;
	s10 =	smov.u32 s17  }
0x1d: {  	s18 =	smov.u32 @p3 s2;
	s14 =	smov.u32 s11;
	[sflag:s19] =	ssyncadd.s32 @!p1 $0xFFFFE000  }
0x1e: {  	s11 =	smov.u32 s18;
	s13 =	sadd.s32 $0x1, s13;
	s12 =	smov.u32 s20  }
.LBB1_1:
0x1f: {  	p1 =	sge.u32 s13, s7;
	s31 =	sadd.s32 $0xFFFFFFFF, s13  }
0x20: {  	s17 =	sxor.u32 @!p1 $0xFFFFFFFF, s13;
	s18 =	sshll.u32 @!p1 s12, $0x13;
	s19 =	sshll.u32 @!p1 s11, $0x9  }
0x21: {  	s20 =	sshll.u32 @!p1 s10, $0x4;
	s17 =	sshll.u32 @!p1 s17, $0xD;
	s18 =	sadd.s32 @!p1 s3, s18  }
0x22: {  	s20 =	sand.u32 @!p1 $0x1F0, s20;
	s17 =	sand.u32 @!p1 $0x2000, s17;
	s18 =	sadd.s32 @!p1 s19, s18  }
0x23: {  	s19 =	simm.s32 @!p1 $0x40;
	s18 =	sadd.s32 @!p1 s20, s18;
	s20 =	simm.s32 @!p1 $0x1000  }
0x24: {  	[tilespmem:s17], [sflag:$0x1] =	stream.strided.gather @!p1 [hbm4b:s18+s19], $0x2000, s20, s19, $0x38;
	[tilespmem:$0x8080] =	vst v63  }
0x25: {  	p1 =	sge.u32 s31, s7  }
.Ltmp2:
0x26: {  	_ = 	snop;
	(pc) =	sbr.rel @p1 .LBB1_5-.Ltmp2, $1  }
0x27: {  	_ =	sdelay $0x3  }
0x28: {  	s17 =	simm.s32 $0x1  }
0x29: {  	_ =	swait.ge [sflag:s6], $0x2000;
	s17 =	simm.s32 @!p0 $0x0  }
0x2a: {  	[sflag:s6] =	ssyncset.done $0x0;
	s18 =	sshll.u32 s17, $0xD  }
0x2b: {  	[sflag:s6] =	ssyncadd.s32 $0xFFFFE000;
	s21 =	sor.u32 $0x20, s18  }
0x2c: {  	s17 =	smul.u32 $0x8100, s17;
	v3 =	vld [tilespmem:s21+$0x10]  }
0x2d: {  	s30 =	sand.u32 $0x1, s13;
	v2 =	vld [tilespmem:s21+$0xFFFFFFF0]  }
0x2e: {  	s18 =	smul.u32 $0x8100, s30;
	s17 =	sshrl.u32 s17, $0x2;
	v0 =	vld [tilespmem:s21+$0x0]  }
0x2f: {  	v1 =	vld [tilespmem:s21+$0xFFFFFFE0];
	s19 =	sor.u32 $0x4000, s17  }
0x30: {  	s31 =	sshrl.u32 s18, $0x2;
	s18 =	sadd.s32 $0x0, s19  }
0x31: {  	s20 =	simm.s32 $0x4;
	s21 =	sadd.s32 $0x40, s21;
	s17 =	sor.u32 $0x4000, s31;
	[tilespmem:s18+$0x1830 ss:$0x81] =	vst.msk $0xffff, v3  }
.LBB1_3:
0x32: {  	v3 =	vld [tilespmem:s21+$0x10];
	p1 =	sne.s32 s20, $0x1FC;
	[tilespmem:s18+$0x810 ss:$0x81] =	vst.msk $0xffff, v2;
	s22 =	smov.u32 s20;
	s20 =	sadd.s32 $0x4, s20  }
.Ltmp3:
0x33: {  	v2 =	vld [tilespmem:s21+$0xFFFFFFF0];
	[tilespmem:s18+$0x1020 ss:$0x81] =	vst.msk $0xffff, v0;
	(pc) =	sbr.rel @p1 .LBB1_3-.Ltmp3, $4  }
0x34: {  	v0 =	vld [tilespmem:s21+$0x0];
	[tilespmem:s18+$0x0 ss:$0x81] =	vst.msk $0xffff, v1  }
0x35: {  	s18 =	sshra.s32 s22, $0x2;
	v1 =	vld [tilespmem:s21+$0xFFFFFFE0]  }
0x36: {  	s18 =	sadd.s32 s18, s19  }
0x37: {  	s21 =	sadd.s32 $0x40, s21;
	[tilespmem:s18+$0x1830 ss:$0x81] =	vst.msk $0xffff, v3  }
.Ltmp4:
0x38: {  	_ = 	snop;
	(pc) =	sbr.rel .LBB1_4-.Ltmp4, $1  }
0x39: {  	_ =	sdelay $0x3  }
.LBB1_6:
0x3a: {  	_ =	sfence.sel $0x180000  }
0x3b: {  	s2 =	simm.s32 $0x1;
	[bflag:$0x0] =	sbarrier.arrive $0xFFFF  }
0x3c: {  	s31 =	simm.s32 $0x2;
	[sflag:s2] =	ssyncpa.u1 $0x1  }
0x3d: {  	[sflag:s31] =	ssyncpa.u1 $0x1  }
0x3e: {  	p0 =	sne.s32 s0, $0x0;
	_ =	strace $0x9000004A  }
0x3f: {  	s0 =	sadd.s32 @!p0 $0x100000, s1;
	[bflag:$0x2] =	sbarrier.arrive $0xFFFF  }
0x40: {  	[sflag:s0] =	ssyncadd.tile.s32 @!p0 $0x1;
	_ =	shalt  }
.Lfunc_end1:
_tile_overlayer_lowered:
.L_overlay_start_2:
0x41: {  	(tag) =	ssettag $0x2  }
0x42: {  	s0 =	rddreg [dreg:$0x0];
	s2 =	stileid.u32  }
0x43: {  	s1 =	rddreg [dreg:$0x1];
	p0 =	sne.s32 s2, $0x0  }
0x44: {  	s3 =	rddreg [dreg:$0x2];
	[bflag:$0x3] =	sbarrier.arrive $0xFFFF;
	s2 =	simm.s32 @!p0 $0x1C01  }
0x45: {  	[timem:s3], [sflag:s2] =	dma.local @!p0 [hbm:s0], s1  }
0x46: {  	s0 =	simm.s32 @!p0 $0x1  }
0x47: {  	_ =	swait.ge @!p0 [sflag:s0], s1  }
0x48: {  	s1 =	ssub.s32 @!p0 $0x0, s1;
	[sflag:s0] =	ssyncset.done @!p0 $0x0  }
0x49: {  	[sflag:s0] =	ssyncadd.s32 @!p0 s1  }
0x4a: {  	[bflag:$0x3] =	sbarrier.arrive $0xFFFF  }
0x4b: {  	_ =	shalt  }

</sc_bundles>
